<compile_context>
chip_gen: v7x
topology: tpu7x:2x2x1
jax: 0.10.2.dev20260603
libtpu: 0.0.44.dev20260713+nightly
codegen_flags: <defaults>
</compile_context>

<pallas_src>
import jax
import jax.numpy as jnp
from jax.experimental import pallas as pl

_H = 32
_W = 32
_HW = _H * _W
_M = 128


def _psrw_block_kernel(cv_ref, lhs_ref, rhs_ref, out_ref):
    cv = cv_ref[...]
    d2 = jax.lax.dot_general(
        lhs_ref[...], rhs_ref[...], (((1,), (0,)), ((), ())),
        precision=jax.lax.Precision.HIGHEST,
    )
    nspp = lhs_ref[:, 4:5]

    far = d2 > 2.0
    s_nm = jnp.sum(jnp.where(far, cv, 0.0), axis=1, keepdims=True)
    cv_mean = s_nm / nspp
    mx = jnp.max(cv, axis=1, keepdims=True)

    qual = (cv <= cv_mean) & (d2 > 0.5)
    md2 = jnp.min(jnp.where(qual, d2, 10000.0), axis=1, keepdims=True)
    width = jnp.sqrt(md2)
    thr = jnp.clip(md2, 2.0, 20.0)

    outm = d2 > thr
    s_side = jnp.sum(jnp.where(outm, cv, 0.0), axis=1, keepdims=True)
    s2_side = jnp.sum(jnp.where(outm, cv * cv, 0.0), axis=1, keepdims=True)
    nsp = jnp.sum(jnp.where(outm, 1.0, 0.0), axis=1, keepdims=True)
    mean_side = s_side / nsp
    var_side = (s2_side - s_side * mean_side) / (nsp - 1.0)

    out_ref[...] = (mx - mean_side) / (var_side * width + 1e-16)


def _norm_kernel(p_ref, out_ref):
    p = p_ref[...]
    out_ref[...] = p / (jnp.mean(p, axis=1, keepdims=True) + 1e-8)


def kernel(cost_volume, peak_coords, mesh):
    B_, C_, H_, W_ = cost_volume.shape
    BC = B_ * C_
    HW = H_ * W_
    cv = cost_volume.reshape(BC, HW)

    pyi = peak_coords[..., 0].reshape(BC)
    pxi = peak_coords[..., 1].reshape(BC)
    pyf = pyi.astype(jnp.float32)
    pxf = pxi.astype(jnp.float32)
    n3 = ((3 - (pyi == 0) - (pyi == H_ - 1))
          * (3 - (pxi == 0) - (pxi == W_ - 1))).astype(jnp.float32)
    zero = jnp.zeros_like(pyf)
    lhs = jnp.stack(
        [-2.0 * pyf, -2.0 * pxf, pyf * pyf + pxf * pxf, jnp.ones_like(pyf),
         float(HW) - n3, zero, zero, zero], axis=1)

    jj = jnp.arange(HW, dtype=jnp.int32)
    yj = (jj // W_).astype(jnp.float32)
    xj = (jj % W_).astype(jnp.float32)
    zrow = jnp.zeros_like(yj)
    rhs = jnp.stack(
        [yj, xj, jnp.ones_like(yj), yj * yj + xj * xj,
         zrow, zrow, zrow, zrow], axis=0)

    raw = pl.pallas_call(
        _psrw_block_kernel,
        grid=(BC // _M,),
        in_specs=[
            pl.BlockSpec((_M, HW), lambda i: (i, 0)),
            pl.BlockSpec((_M, 8), lambda i: (i, 0)),
            pl.BlockSpec((8, HW), lambda i: (0, 0)),
        ],
        out_specs=pl.BlockSpec((_M, 1), lambda i: (i, 0)),
        out_shape=jax.ShapeDtypeStruct((BC, 1), jnp.float32),
    )(cv, lhs, rhs)

    psrw = raw.reshape(B_, C_)
    return pl.pallas_call(
        _norm_kernel,
        out_shape=jax.ShapeDtypeStruct((B_, C_), jnp.float32),
    )(psrw)

# --- scband reference (transcript-rebuilt; emitter-appended) ---
"""Pipeline reference for scband-saliency-evaluator-psrw-7095285973038 (READ-ONLY COPY).

The authoritative reference and input builder live on the scoring server;
editing this copy changes nothing except your own understanding.
"""

import jax, jax.numpy as jnp
import numpy as np
import math, itertools

R_PRIORI = 1.5
R_MAX = 4
MIN_K = 1
ML_WIDTH_POW = 1
B, C, H, W = 16, 1024, 32, 32

def _grid_offsets(radius):
    off = list(range(-radius, radius + 1))
    offs = list(itertools.permutations(off, 2))
    offs.extend(zip(off, off))
    return np.array(offs, dtype=np.int64)

def _offsets_priori():
    offs = _grid_offsets(math.ceil(R_PRIORI))
    mask = np.sqrt((offs.astype(np.float64) ** 2).sum(-1)) <= R_PRIORI
    return (mask[:, None] * offs).astype(np.int32)

def _forward(cost_volume, peak_coords, mesh):
    B_, C_, H_, W_ = cost_volume.shape
    BC = B_ * C_
    offs_pri = jnp.asarray(_offsets_priori())
    offs_max = jnp.asarray(_grid_offsets(R_MAX).astype(np.float32))
    mwp = peak_coords[..., None, :] + offs_pri[None, None, :, :]
    mwp = jnp.stack([jnp.clip(mwp[..., 0], 0, H_ - 1), jnp.clip(mwp[..., 1], 0, W_ - 1)], axis=-1).reshape(BC, -1, 2)
    b_idx = jnp.arange(BC)
    pw = jnp.ones((BC, H_, W_), dtype=cost_volume.dtype).at[b_idx[:, None], mwp[..., 0], mwp[..., 1]].set(0.0)
    pw = pw.reshape(BC, H_ * W_)
    nspp = pw.sum(axis=-1, keepdims=True)
    cv3 = cost_volume.reshape(BC, H_, W_)
    cvf = cv3.reshape(BC, H_ * W_)
    pcf = peak_coords.reshape(BC, 2)
    cv_mean = (cvf * pw).sum(-1, keepdims=True) / nspp
    mesh_y = mesh[0].reshape(BC, H_ * W_)
    mesh_x = mesh[1].reshape(BC, H_ * W_)
    distance = jnp.sqrt(((mesh_y - pcf[:, :1]) ** 2 + (mesh_x - pcf[:, 1:]) ** 2).astype(jnp.float32))
    compare = cv3 <= cv_mean[:, :, None]
    compare = compare.at[b_idx, pcf[:, 0], pcf[:, 1]].set(False)
    cmpf = compare.reshape(BC, -1)
    distance = jnp.where(cmpf, distance, jnp.float32(100.0))
    neg_vals, _ = jax.lax.top_k(-distance, MIN_K)
    widths = (-neg_vals).mean(-1, keepdims=True)
    radius = jnp.clip(widths, 1.5, R_MAX + 0.5)
    dmax = jnp.sqrt((offs_max ** 2).sum(-1))
    mask = (dmax[None, :] <= radius).astype(jnp.float32)
    offs_l = (mask[..., None] * offs_max[None]).astype(jnp.int32)
    mw = pcf[:, None, :] + offs_l
    mw = jnp.stack([jnp.clip(mw[..., 0], 0, H_ - 1), jnp.clip(mw[..., 1], 0, W_ - 1)], axis=-1)
    mwt = jnp.ones((BC, H_, W_), dtype=cost_volume.dtype).at[b_idx[:, None], mw[..., 0], mw[..., 1]].set(0.0).reshape(BC, H_ * W_)
    nsp = mwt.sum(-1, keepdims=True)
    mean_side = (cvf * mwt).sum(-1, keepdims=True) / nsp
    var_side = (((cvf - mean_side) * mwt) ** 2).sum(-1, keepdims=True) / (nsp - 1)
    peaks = cvf.max(-1, keepdims=True)
    psrw = ((peaks - mean_side) / (var_side * widths ** ML_WIDTH_POW + 1e-16)).reshape(B_, C_)
    return psrw / (psrw.mean(-1, keepdims=True) + 1e-08)

def setup_inputs(seed: int = 0):
    key = jax.random.key(seed)
    k1, k2 = jax.random.split(key)
    cost_volume = jax.random.normal(k1, (B, C, H, W), dtype=jnp.float32)
    peak_coords = jax.random.randint(k2, (B, C, 2), 0, H).astype(jnp.int32)
    gy = jnp.broadcast_to(jnp.arange(H, dtype=jnp.int32)[:, None], (H, W))
    gx = jnp.broadcast_to(jnp.arange(W, dtype=jnp.int32)[None, :], (H, W))
    mesh = jnp.stack([jnp.broadcast_to(gy, (B, C, H, W)), jnp.broadcast_to(gx, (B, C, H, W))], axis=0)
    return {"cost_volume": cost_volume, "peak_coords": peak_coords, "mesh": mesh}

def reference(cost_volume, peak_coords, mesh):
    return _forward(cost_volume, peak_coords, mesh)

if __name__ == "__main__":
    import jax
    _d = setup_inputs()
    print(jax.jit(kernel)(*tuple(_d.values())))

</pallas_src>

<mosaic_0001>
module attributes {stable_mosaic.version = 14 : i64} {
  func.func @_psrw_block_kernel(%arg0: i32, %arg1: memref<128x1024xf32, #tpu.memory_space<vmem>>, %arg2: memref<128x8xf32, #tpu.memory_space<vmem>>, %arg3: memref<8x1024xf32, #tpu.memory_space<vmem>>, %arg4: memref<128x1xf32, #tpu.memory_space<vmem>>) attributes {dimension_semantics = [#tpu.dimension_semantics<arbitrary>], iteration_bounds = array<i64: 128>, scalar_prefetch = 0 : i64, scratch_operands = 0 : i64, tpu.core_type = #tpu.core_type<tc>, window_params = [{transform_indices = @transform_0, window_bounds = array<i64: 128, 1024>}, {transform_indices = @transform_1, window_bounds = array<i64: 128, 8>}, {pipeline_mode = #tpu.pipeline_mode<synchronous>, transform_indices = @transform_2, window_bounds = array<i64: 8, 1024>}, {transform_indices = @transform_3, window_bounds = array<i64: 128, 1>}]} {
    %get3A = arith.constant 0 : index
    %get3A_0 = arith.constant 0 : index
    %get3A_1 = vector.load %arg1[%get3A, %get3A_0] : memref<128x1024xf32, #tpu.memory_space<vmem>>, vector<128x1024xf32>
    %get3A_2 = arith.constant 0 : index
    %get3A_3 = arith.constant 0 : index
    %get3A_4 = vector.load %arg2[%get3A_2, %get3A_3] : memref<128x8xf32, #tpu.memory_space<vmem>>, vector<128x8xf32>
    %get3A_5 = arith.constant 0 : index
    %get3A_6 = arith.constant 0 : index
    %get3A_7 = vector.load %arg3[%get3A_5, %get3A_6] : memref<8x1024xf32, #tpu.memory_space<vmem>>, vector<8x1024xf32>
    %dot_general3A = arith.constant dense<0.000000e+00> : vector<128x1024xf32>
    %dot_general3A_8 = tpu.matmul %get3A_4, %get3A_7, %dot_general3A {dimension_numbers = #tpu.dot_dimension_numbers<[1], [0], [0], [1], [0, 0, 1, 1], [], []>, precision = #tpu.contract_precision<fp32>, transpose_lhs_hint = false} : vector<128x8xf32>, vector<8x1024xf32>, vector<128x1024xf32> -> vector<128x1024xf32>
    %get3A_9 = arith.constant 0 : index
    %get3A_10 = arith.constant 4 : index
    %get3A_11 = vector.load %arg2[%get3A_9, %get3A_10] : memref<128x8xf32, #tpu.memory_space<vmem>>, vector<128x1xf32>
    %gt3A = arith.constant 2.000000e+00 : f32
    %gt3A_12 = vector.broadcast %gt3A : f32 to vector<128x1024xf32>
    %gt3A_13 = arith.cmpf ogt, %dot_general3A_8, %gt3A_12 : vector<128x1024xf32>
    %jit3A = arith.constant 0.000000e+00 : f32
    %broadcast_in_dim3A = vector.broadcast %jit3A : f32 to vector<128x1024xf32>
    %select_n3A = arith.select %gt3A_13, %get3A_1, %broadcast_in_dim3A : vector<128x1024xi1>, vector<128x1024xf32>
    %reduce_sum3A = arith.constant dense<0.000000e+00> : vector<128xf32>
    %reduce_sum3A_14 = vector.multi_reduction <add>, %select_n3A, %reduce_sum3A [1] : vector<128x1024xf32> to vector<128xf32>
    %broadcast_in_dim3A_15 = vector.shape_cast %reduce_sum3A_14 : vector<128xf32> to vector<128x1xf32>
    %div3A = arith.divf %broadcast_in_dim3A_15, %get3A_11 : vector<128x1xf32>
    %reduce_max3A = arith.constant dense<0xFF800000> : vector<128xf32>
    %reduce_max3A_16 = vector.multi_reduction <maximumf>, %get3A_1, %reduce_max3A [1] : vector<128x1024xf32> to vector<128xf32>
    %broadcast_in_dim3A_17 = vector.shape_cast %reduce_max3A_16 : vector<128xf32> to vector<128x1xf32>
    %le3A = vector.broadcast %div3A : vector<128x1xf32> to vector<128x1024xf32>
    %le3A_18 = arith.cmpf ole, %get3A_1, %le3A : vector<128x1024xf32>
    %gt3A_19 = arith.constant 5.000000e-01 : f32
    %gt3A_20 = vector.broadcast %gt3A_19 : f32 to vector<128x1024xf32>
    %gt3A_21 = arith.cmpf ogt, %dot_general3A_8, %gt3A_20 : vector<128x1024xf32>
    %and3A = arith.andi %le3A_18, %gt3A_21 : vector<128x1024xi1>
    %jit3A_22 = arith.constant 1.000000e+04 : f32
    %broadcast_in_dim3A_23 = vector.broadcast %jit3A_22 : f32 to vector<128x1024xf32>
    %select_n3A_24 = arith.select %and3A, %dot_general3A_8, %broadcast_in_dim3A_23 : vector<128x1024xi1>, vector<128x1024xf32>
    %reduce_min3A = arith.constant dense<0x7F800000> : vector<128xf32>
    %reduce_min3A_25 = vector.multi_reduction <minimumf>, %select_n3A_24, %reduce_min3A [1] : vector<128x1024xf32> to vector<128xf32>
    %broadcast_in_dim3A_26 = vector.shape_cast %reduce_min3A_25 : vector<128xf32> to vector<128x1xf32>
    %sqrt3A = math.sqrt %broadcast_in_dim3A_26 : vector<128x1xf32>
    %jit3A_27 = arith.constant 2.000000e+00 : f32
    %jit3A_28 = arith.constant 2.000000e+01 : f32
    %max3A = vector.broadcast %jit3A_27 : f32 to vector<128x1xf32>
    %max3A_29 = arith.maximumf %max3A, %broadcast_in_dim3A_26 : vector<128x1xf32>
    %min3A = vector.broadcast %jit3A_28 : f32 to vector<128x1xf32>
    %min3A_30 = arith.minimumf %min3A, %max3A_29 : vector<128x1xf32>
    %gt3A_31 = vector.broadcast %min3A_30 : vector<128x1xf32> to vector<128x1024xf32>
    %gt3A_32 = arith.cmpf ogt, %dot_general3A_8, %gt3A_31 : vector<128x1024xf32>
    %jit3A_33 = arith.constant 0.000000e+00 : f32
    %broadcast_in_dim3A_34 = vector.broadcast %jit3A_33 : f32 to vector<128x1024xf32>
    %select_n3A_35 = arith.select %gt3A_32, %get3A_1, %broadcast_in_dim3A_34 : vector<128x1024xi1>, vector<128x1024xf32>
    %reduce_sum3A_36 = arith.constant dense<0.000000e+00> : vector<128xf32>
    %reduce_sum3A_37 = vector.multi_reduction <add>, %select_n3A_35, %reduce_sum3A_36 [1] : vector<128x1024xf32> to vector<128xf32>
    %broadcast_in_dim3A_38 = vector.shape_cast %reduce_sum3A_37 : vector<128xf32> to vector<128x1xf32>
    %mul3A = arith.mulf %get3A_1, %get3A_1 : vector<128x1024xf32>
    %jit3A_39 = arith.constant 0.000000e+00 : f32
    %broadcast_in_dim3A_40 = vector.broadcast %jit3A_39 : f32 to vector<128x1024xf32>
    %select_n3A_41 = arith.select %gt3A_32, %mul3A, %broadcast_in_dim3A_40 : vector<128x1024xi1>, vector<128x1024xf32>
    %reduce_sum3A_42 = arith.constant dense<0.000000e+00> : vector<128xf32>
    %reduce_sum3A_43 = vector.multi_reduction <add>, %select_n3A_41, %reduce_sum3A_42 [1] : vector<128x1024xf32> to vector<128xf32>
    %broadcast_in_dim3A_44 = vector.shape_cast %reduce_sum3A_43 : vector<128xf32> to vector<128x1xf32>
    %jit3A_45 = arith.constant 1.000000e+00 : f32
    %jit3A_46 = arith.constant 0.000000e+00 : f32
    %broadcast_in_dim3A_47 = vector.broadcast %jit3A_45 : f32 to vector<128x1024xf32>
    %broadcast_in_dim3A_48 = vector.broadcast %jit3A_46 : f32 to vector<128x1024xf32>
    %select_n3A_49 = arith.select %gt3A_32, %broadcast_in_dim3A_47, %broadcast_in_dim3A_48 : vector<128x1024xi1>, vector<128x1024xf32>
    %reduce_sum3A_50 = arith.constant dense<0.000000e+00> : vector<128xf32>
    %reduce_sum3A_51 = vector.multi_reduction <add>, %select_n3A_49, %reduce_sum3A_50 [1] : vector<128x1024xf32> to vector<128xf32>
    %broadcast_in_dim3A_52 = vector.shape_cast %reduce_sum3A_51 : vector<128xf32> to vector<128x1xf32>
    %div3A_53 = arith.divf %broadcast_in_dim3A_38, %broadcast_in_dim3A_52 : vector<128x1xf32>
    %mul3A_54 = arith.mulf %broadcast_in_dim3A_38, %div3A_53 : vector<128x1xf32>
    %sub3A = arith.subf %broadcast_in_dim3A_44, %mul3A_54 : vector<128x1xf32>
    %sub3A_55 = arith.constant 1.000000e+00 : f32
    %sub3A_56 = vector.broadcast %sub3A_55 : f32 to vector<128x1xf32>
    %sub3A_57 = arith.subf %broadcast_in_dim3A_52, %sub3A_56 : vector<128x1xf32>
    %div3A_58 = arith.divf %sub3A, %sub3A_57 : vector<128x1xf32>
    %sub3A_59 = arith.subf %broadcast_in_dim3A_17, %div3A_53 : vector<128x1xf32>
    %mul3A_60 = arith.mulf %div3A_58, %sqrt3A : vector<128x1xf32>
    %add3A = arith.constant 1.000000e-16 : f32
    %add3A_61 = vector.broadcast %add3A : f32 to vector<128x1xf32>
    %add3A_62 = arith.addf %mul3A_60, %add3A_61 : vector<128x1xf32>
    %div3A_63 = arith.divf %sub3A_59, %add3A_62 : vector<128x1xf32>
    %swap3A = arith.constant 0 : index
    %swap3A_64 = arith.constant 0 : index
    %swap3A_65 = vector.load %arg4[%swap3A, %swap3A_64] : memref<128x1xf32, #tpu.memory_space<vmem>>, vector<128x1xf32>
    tpu.vector_store %arg4[%swap3A, %swap3A_64], %div3A_63 {strides = array<i32>} : memref<128x1xf32, #tpu.memory_space<vmem>>, vector<128x1xf32>,
    return
  }
  func.func @transform_0(%arg0: i32) -> (i32, i32) {
    %c0_i32 = arith.constant 0 : i32
    %c0_i32_0 = arith.constant 0 : i32
    return %arg0, %c0_i32 : i32, i32
  }
  func.func @transform_1(%arg0: i32) -> (i32, i32) {
    %c0_i32 = arith.constant 0 : i32
    %c0_i32_0 = arith.constant 0 : i32
    return %arg0, %c0_i32 : i32, i32
  }
  func.func @transform_2(%arg0: i32) -> (i32, i32) {
    %c0_i32 = arith.constant 0 : i32
    %c0_i32_0 = arith.constant 0 : i32
    %c0_i32_1 = arith.constant 0 : i32
    return %c0_i32, %c0_i32_0 : i32, i32
  }
  func.func @transform_3(%arg0: i32) -> (i32, i32) {
    %c0_i32 = arith.constant 0 : i32
    %c0_i32_0 = arith.constant 0 : i32
    return %arg0, %c0_i32 : i32, i32
  }
}

module attributes {stable_mosaic.version = 14 : i64} {
  func.func @_norm_kernel(%arg0: memref<16x1024xf32, #tpu.memory_space<vmem>>, %arg1: memref<16x1024xf32, #tpu.memory_space<vmem>>) attributes {dimension_semantics = [], scalar_prefetch = 0 : i64, scratch_operands = 0 : i64, tpu.core_type = #tpu.core_type<tc>} {
    %get3A = arith.constant 0 : index
    %get3A_0 = arith.constant 0 : index
    %get3A_1 = vector.load %arg0[%get3A, %get3A_0] : memref<16x1024xf32, #tpu.memory_space<vmem>>, vector<16x1024xf32>
    %reduce_sum3A = arith.constant dense<0.000000e+00> : vector<16xf32>
    %reduce_sum3A_2 = vector.multi_reduction <add>, %get3A_1, %reduce_sum3A [1] : vector<16x1024xf32> to vector<16xf32>
    %broadcast_in_dim3A = vector.shape_cast %reduce_sum3A_2 : vector<16xf32> to vector<16x1xf32>
    %div3A = arith.constant 1.024000e+03 : f32
    %div3A_3 = vector.broadcast %div3A : f32 to vector<16x1xf32>
    %div3A_4 = arith.divf %broadcast_in_dim3A, %div3A_3 : vector<16x1xf32>
    %add3A = arith.constant 9.99999993E-9 : f32
    %add3A_5 = vector.broadcast %add3A : f32 to vector<16x1xf32>
    %add3A_6 = arith.addf %div3A_4, %add3A_5 : vector<16x1xf32>
    %div3A_7 = vector.broadcast %add3A_6 : vector<16x1xf32> to vector<16x1024xf32>
    %div3A_8 = arith.divf %get3A_1, %div3A_7 : vector<16x1024xf32>
    %swap3A = arith.constant 0 : index
    %swap3A_9 = arith.constant 0 : index
    %swap3A_10 = vector.load %arg1[%swap3A, %swap3A_9] : memref<16x1024xf32, #tpu.memory_space<vmem>>, vector<16x1024xf32>
    tpu.vector_store %arg1[%swap3A, %swap3A_9], %div3A_8 {strides = array<i32>} : memref<16x1024xf32, #tpu.memory_space<vmem>>, vector<16x1024xf32>,
    return
  }
}

</mosaic_0001>

<sc_bundles>
// kernel: sparse-core-data-format-call.cloned.1.call-start
scs
called_computation_lowered:
.L_overlay_start_0:
0x0: {  	s1 =	sld [smem:$0x3FD9]  }
0x1: {  	s2 =	sld [smem:$0x3FFE];
	_ =	sdelay $0x1  }
0x2: {  	s3 =	srdreg.scid  }
0x3: {  	s0 =	sand.u32 $0x1, s3  }
0x4: {  	s17 =	sshll.u32 s0, $0xA;
	s1 =	sadd.s32 s2, s1  }
0x5: {  	s1 =	sadd.s32 s1, s17  }
0x6: {  	[smem:$0x3FC6] =	sst s1  }
0x7: {  	_ = 	snop  }
0x8: {  	(tm) =	ssettm $0x1  }
0x9: {  	s18 =	sld [smem:$0x3FFB];
	_ =	sdelay $0x3  }
0xa: {  	_ =	strace s18  }
0xb: {  	s1 =	sld [smem:$0x3FFC];
	_ =	sdelay $0x3  }
0xc: {  	_ =	strace s1  }
0xd: {  	s1 =	sld [smem:$0x3FFD];
	_ =	sdelay $0x3  }
0xe: {  	_ =	strace s1  }
0xf: {  	_ =	strace $0x8FFFFFFF  }
0x10: {  	s19 =	sld [smem:$0x3FDB];
	_ =	sdelay $0x1  }
0x11: {  	s20 =	simm.s32 $_scs_section_size  }
0x12: {  	s4 =	simm.s32 $_size__tile_overlayer_lowered;
	s5 =	simm.s32 $_tile_overlayer_lowered  }
0x13: {  	s23 =	simm.s32 $0x1BFF;
	s22 =	sshll.u32 s5, $0x1;
	s1 =	sadd.s32 s20, s19  }
0x14: {  	s6 =	simm.s32 $0x0;
	s21 =	sshll.u32 s4, $0x1;
	s4 =	sadd.s32 s22, s1  }
0x15: {  	[timem:s6], [sflag:s23] =	dma.local [hbm:s4], s21  }
0x16: {  	_ =	swait.ge [sflag:s23], s21  }
0x17: {  	s2 =	ssub.s32 $0x0, s21;
	[sflag:s23] =	ssyncset.done $0x0  }
0x18: {  	[sflag:s23] =	ssyncadd.s32 s2;
	_ =	sdelay $0x1  }
0x19: {  	s24 =	simm.s32 $0x1B8B  }
0x1a: {  	_ =	swait.ge [sflag:s24], $0x1  }
0x1b: {  	[sflag:s24] =	ssyncset.done $0x0  }
0x1c: {  	s26 =	simm.s32 $0x1B8E;
	s25 =	sld [smem:$0x3FFE];
	[sflag:s24] =	ssyncadd.s32 $0xFFFFFFFF  }
0x1d: {  	s27 =	simm.s32 $execute0_lowered;
	[smem:$0x3FD2] =	sst s26  }
0x1e: {  	s4 =	sshll.u32 s27, $0x1;
	_ =	strace $0x80000046;
	[dreg:$0x1] =	wrdreg $0xFFFFFFFF  }
0x1f: {  	s28 =	simm.s32 $_size_execute0_lowered;
	s1 =	sadd.s32 s1, s4;
	[dreg:$0x0] =	wrdreg $0x0  }
0x20: {  	s4 =	sshll.u32 s28, $0x1;
	[dreg:$0x2] =	wrdreg s1  }
0x21: {  	[dreg:$0x3] =	wrdreg s4  }
0x22: {  	[dreg:$0x4] =	wrdreg $0xC0  }
0x23: {  	_ =	task [dreg:s6], $0x5FFFF  }
0x24: {  	[dreg:$0x1] =	wrdreg $0xFFFFFFFF  }
0x25: {  	[dreg:$0x0] =	wrdreg $0x60  }
0x26: {  	[dreg:$0x2] =	wrdreg s25  }
0x27: {  	[dreg:$0x3] =	wrdreg $0x9  }
0x28: {  	_ =	task.clear_ibuf [dreg:s6], $0x4FFFF;
	_ =	strace $0x90000046  }
0x29: {  	s29 =	simm.s32 $0x9;
	_ =	strace $0x80000048  }
0x2a: {  	_ =	swait.ge [sflag:s29], $0x1  }
0x2b: {  	[sflag:s29] =	ssyncadd.s32 $0xFFFFFFFF  }
0x2c: {  	_ =	strace $0x90000048  }
0x2d: {  	_ =	sfence  }
0x2e: {  	s30 =	sld [smem:$0x0];
	_ =	sdelay $0x2  }
0x2f: {  	s31 =	sshll.u32 s3, $0xD;
	s3 =	sshrl.u32 s3, $0x2  }
0x30: {  	s2 =	sand.u32 $0x4000, s31;
	s1 =	sadd.s32 s3, s30  }
0x31: {  	s0 =	sor.u32 s2, s0;
	s1 =	sshll.u32 s1, $0x11  }
0x32: {  	s0 =	sor.u32 s1, s0  }
0x33: {  	s0 =	sadd.s32 $0x8F2B, s0  }
0x34: {  	[sflag:s0] =	ssyncadd.remote.s32 $0x1  }
0x35: {  	_ =	sfence.sel $0xFFFF  }
0x36: {  	[dreg:$0x0] =	wrdreg $0xFFFFFFFF;
	(pc) =	sbr.abs _section_cstart, $3  }
0x37: {  	[dreg:$0x1] =	wrdreg $0xFFFFFFFF  }
0x38: {  	_ =	task.clear_ibuf [dreg:s6], $0x2FFFF;
	_ =	strace $0x9FFFFFFF  }
0x39: {  	(tm) =	ssettm $0x7FFFFFFF  }
tec
execute0_lowered:
.L_overlay_start_1:
0x0: {  	(tag) =	ssettag $0x1  }
0x1: {  	s1 =	rddreg [dreg:$0x0]  }
0x2: {  	s0 =	rddreg [dreg:$0x1];
	_ =	strace $0x80000047  }
0x3: {  	s4 =	srdreg.scid;
	s6 =	simm.s32 $0x2;
	s12 =	simm.s32 $0x0  }
0x4: {  	p0 =	por $0x0, $0x0;
	s13 =	simm.s32 $0x0;
	s15 =	simm.s32 $0x0  }
0x5: {  	s14 =	simm.s32 $0x0;
	s8 =	simm.s32 $0x0;
	s9 =	simm.s32 $0x0  }
.Ltmp0:
0x6: {  	s10 =	simm.s32 $0x0;
	s7 =	simm.s32 $0x0;
	(pc) =	sbr.rel .LBB1_1-.Ltmp0, $4  }
0x7: {  	s2 =	sadd.s32 $0x800, s1;
	s3 =	sadd.s32 $0x200800, s1;
	s5 =	sshll.u32 s4, $0x4  }
0x8: {  	s1 =	stileid.u32;
	s4 =	simm.s32 $0x1;
	s5 =	sand.u32 $0x10, s5  }
0x9: {  	s21 =	simm.s32 $0x0;
	[sflag:s4] =	ssyncpa.u1 $0x0;
	s5 =	sor.u32 s1, s5  }
0xa: {  	[sflag:s6] =	ssyncpa.u1 $0x0;
	s6 =	simm.s32 $0x2000;
	s11 =	smov.u32 s5  }
.LBB1_7:
0xb: {  	s16 =	sadd.s32 $0x100, s8  }
0xc: {  	s12 =	sadd.s32 $0x8, s9;
	s17 =	smov.u32 s9;
	p2 =	sgt.s32 s16, $0x3FF  }
0xd: {  	s17 =	smov.u32 @p2 s12  }
0xe: {  	s18 =	smov.u32 s10;
	s12 =	sadd.s32 $0x8, s10;
	p3 =	sgt.s32 s17, $0xF  }
0xf: {  	s18 =	smov.u32 @p3 s12  }
0x10: {  	s19 =	smov.u32 s11;
	s12 =	sadd.s32 $0x20, s11;
	p4 =	sgt.s32 s18, $0x7  }
0x11: {  	p1 =	slt.u32 s7, $0x2;
	s19 =	smov.u32 @p4 s12  }
0x12: {  	s7 =	sadd.s32 $0x1, s7;
	s16 =	simm.s32 @p2 $0x0;
	p2 =	sgt.s32 s19, $0x7F  }
0x13: {  	s20 =	simm.s32 @!p1 $0x2;
	s19 =	smov.u32 @p2 s5;
	p2 =	sne.s32 s7, $0x22  }
.Ltmp1:
0x14: {  	s13 =	smov.u32 s9;
	_ =	swait.ge @!p1 [sflag:s20], $0x4000;
	(pc) =	sbr.rel @!p2 .LBB1_8-.Ltmp1, $4  }
0x15: {  	s15 =	smov.u32 s10;
	s14 =	smov.u32 s11;
	[sflag:s20] =	ssyncset.done @!p1 $0x0  }
0x16: {  	p0 =	por !p0, !p0;
	s17 =	simm.s32 @p3 $0x0;
	[sflag:s20] =	ssyncadd.s32 @!p1 $0xFFFFC000  }
0x17: {  	s9 =	smov.u32 s17;
	s18 =	simm.s32 @p4 $0x0;
	s12 =	smov.u32 s8  }
0x18: {  	s8 =	smov.u32 s16;
	s10 =	smov.u32 s18;
	s11 =	smov.u32 s19  }
.LBB1_1:
0x19: {  	p1 =	sgt.u32 s7, $0x1F  }
0x1a: {  	s16 =	sxor.u32 @!p1 $0xFFFFFFFF, s7;
	s17 =	sshll.u32 @!p1 s9, $0x7;
	s18 =	sand.u32 @!p1 $0x78, s8  }
0x1b: {  	s20 =	sshll.u32 @!p1 s10, $0xB;
	s16 =	sshll.u32 @!p1 s16, $0xE;
	s19 =	sand.u32 @!p1 $0x380, s17  }
0x1c: {  	s17 =	sand.u32 @!p1 $0x400, s17;
	s18 =	sor.u32 @!p1 s18, s19;
	s19 =	sshll.u32 @!p1 s11, $0xE  }
0x1d: {  	s16 =	sand.u32 @!p1 $0x4000, s16;
	s17 =	sadd.s32 @!p1 s8, s17;
	s19 =	sadd.s32 @!p1 s2, s19  }
0x1e: {  	s18 =	sshrl.u32 @!p1 s18, $0x3;
	s19 =	sadd.s32 @!p1 s20, s19;
	s20 =	sand.u32 @!p1 $0x7, s8  }
0x1f: {  	s17 =	sand.u32 @!p1 $0x780, s17;
	s18 =	sadd.s32 @!p1 s18, s19;
	s19 =	sshll.u32 @!p1 s20, $0x12  }
0x20: {  	s17 =	sadd.s32 @!p1 s17, s18;
	s18 =	sor.u32 @!p1 $0x800, s19;
	s19 =	simm.s32 @!p1 $0x4000  }
0x21: {  	[tilespmem:s16], [sflag:$0x1] =	stream.strided.gather @!p1 [hbm4b:s17+s18], $0x4000, s19, s18, $0x38;
	[tilespmem:$0x10000] =	vst v63  }
0x22: {  	p1 =	seq.s32 s7, $0x0  }
0x23: {  	p2 =	seq.s32 @!p1 s7, $0x21  }
0x24: {  	p1 =	por p1, p2  }
.Ltmp2:
0x25: {  	_ = 	snop;
	(pc) =	sbr.rel @p1 .LBB1_7-.Ltmp2, $1  }
0x26: {  	_ =	sdelay $0x3  }
0x27: {  	s16 =	simm.s32 $0x1  }
0x28: {  	_ =	swait.ge [sflag:s4], $0x4000;
	s31 =	sshll.u32 s7, $0xE;
	p1 =	por $0x0, $0x0  }
0x29: {  	s22 =	simm.s32 $0x0;
	s23 =	simm.s32 $0x0;
	s16 =	simm.s32 @!p0 $0x0  }
0x2a: {  	[sflag:s4] =	ssyncset.done $0x0;
	s19 =	sand.u32 $0x4000, s31;
	s16 =	sshll.u32 s16, $0x10  }
0x2b: {  	[sflag:s4] =	ssyncadd.s32 $0xFFFFC000;
	s20 =	sshrl.u32 s16, $0x2;
	s16 =	sor.u32 $0x8000, s19  }
0x2c: {  	s17 =	sor.u32 $0x40, s20;
	s18 =	sor.u32 $0x8410, s20;
	s20 =	sadd.s32 $0x8400, s20  }
.LBB1_3:
0x2d: {  	v1 =	vld [tilespmem:s17+$0xFFFFFFD0]  }
0x2e: {  	v2 =	vld [tilespmem:s17+$0x430]  }
0x2f: {  	s24 =	sshll.u32 s23, $0xB;
	v4 =	vld [tilespmem:s17+$0xFFFFFFE0]  }
0x30: {  	v7 =	vld [tilespmem:s17+$0xFFFFFFF0];
	v0 =	vmov s24  }
0x31: {  	v8 =	vld [tilespmem:s17+$0x0]  }
0x32: {  	s30 =	sand.u32 $0x300, s21;
	v9 =	vld [tilespmem:s17+$0x10]  }
0x33: {  	s25 =	sand.u32 $0x80, s21;
	v10 =	vld [tilespmem:s17+$0x20];
	s24 =	sadd.s32 s30, s19  }
0x34: {  	v11 =	vld [tilespmem:s17+$0x30];
	s24 =	sadd.s32 s25, s24;
	s25 =	simm.s32 $0x1;
	[tilespmem:s18+$0x60] =	vst v2  }
0x35: {  	s31 =	sshll.u32 s22, $0x2;
	s25 =	simm.s32 @!p1 $0x0;
	[tilespmem:s18+$0xFFFFFC00] =	vst v1;
	v3 =	vld.idx.msk [tilespmem:v0+s24+$0x400 ss:$0x1], $0xffff  }
0x36: {  	v6 =	vld [tilespmem:s17+$0x3D0];
	s25 =	sshll.u32 s25, $0x9;
	[tilespmem:s18+$0xFFFFFC10] =	vst v4;
	s24 =	sand.u32 $0xFFFFFC00, s31  }
0x37: {  	v5 =	vld [tilespmem:s17+$0x3E0];
	[tilespmem:s18+$0xFFFFFC20] =	vst v7;
	s24 =	sor.u32 s25, s24  }
0x38: {  	[tilespmem:s18+$0xFFFFFC30] =	vst v8;
	v4 =	vld [tilespmem:s17+$0x400];
	s24 =	sshrl.u32 s24, $0x2  }
0x39: {  	[tilespmem:s18+$0xFFFFFC40] =	vst v9;
	v1 =	vld [tilespmem:s17+$0x410];
	s24 =	sadd.s32 s24, s20  }
0x3a: {  	[tilespmem:s24+$0x0] =	vst v3;
	v3 =	vld [tilespmem:s17+$0x3F0]  }
0x3b: {  	s28 =	simm.s32 $0x80;
	s27 =	simm.s32 $0x100;
	[tilespmem:s18+$0xFFFFFC50] =	vst v10;
	v2 =	vld [tilespmem:s17+$0x420]  }
0x3c: {  	s26 =	smov.u32 s18;
	s29 =	sand.u32 $0x300, s28;
	v7 =	vld [tilespmem:s17+$0xFFFFFFC0];
	[tilespmem:s18+$0xFFFFFC60] =	vst v11;
	s25 =	sadd.s32 $0x80, s17  }
.LBB1_4:
0x3d: {  	p2 =	sne.s32 s27, $0x380;
	v8 =	vld [tilespmem:s25+$0xFFFFFFD0];
	s28 =	sand.u32 $0x80, s28;
	s29 =	sadd.s32 s29, s19;
	[tilespmem:s26+$0x0] =	vst v6  }
0x3e: {  	s29 =	sadd.s32 s28, s29;
	v6 =	vld [tilespmem:s25+$0x430];
	[tilespmem:s26+$0x10] =	vst v5;
	s28 =	smov.u32 s27  }
0x3f: {  	v5 =	vld.idx.msk [tilespmem:v0+s29+$0x400 ss:$0x1], $0xffff;
	[tilespmem:s26+$0x20] =	vst v3  }
0x40: {  	v3 =	vld [tilespmem:s25+$0xFFFFFFE0];
	[tilespmem:s26+$0x30] =	vst v4  }
0x41: {  	v4 =	vld [tilespmem:s25+$0xFFFFFFF0];
	[tilespmem:s26+$0xFFFFFBF0] =	vst v7  }
0x42: {  	v7 =	vld [tilespmem:s25+$0x0];
	[tilespmem:s26+$0x40] =	vst v1  }
0x43: {  	v1 =	vld [tilespmem:s25+$0x10];
	[tilespmem:s26+$0x50] =	vst v2;
	s26 =	sadd.s32 $0x800, s26  }
0x44: {  	s24 =	sadd.s32 $0x800, s24;
	v2 =	vld [tilespmem:s25+$0x20];
	[tilespmem:s26+$0x60] =	vst v6  }
0x45: {  	v9 =	vld [tilespmem:s25+$0x30];
	[tilespmem:s24+$0x0] =	vst v5  }
0x46: {  	[tilespmem:s26+$0xFFFFFC00] =	vst v8;
	v6 =	vld [tilespmem:s25+$0x3D0]  }
0x47: {  	[tilespmem:s26+$0xFFFFFC10] =	vst v3;
	v5 =	vld [tilespmem:s25+$0x3E0]  }
.Ltmp3:
0x48: {  	[tilespmem:s26+$0xFFFFFC20] =	vst v4;
	v3 =	vld [tilespmem:s25+$0x3F0];
	(pc) =	sbr.rel @p2 .LBB1_4-.Ltmp3, $4  }
0x49: {  	[tilespmem:s26+$0xFFFFFC30] =	vst v7;
	v4 =	vld [tilespmem:s25+$0x400]  }
0x4a: {  	[tilespmem:s26+$0xFFFFFC40] =	vst v1;
	v1 =	vld [tilespmem:s25+$0x410]  }
0x4b: {  	[tilespmem:s26+$0xFFFFFC50] =	vst v2;
	v2 =	vld [tilespmem:s25+$0x420]  }
0x4c: {  	s27 =	sadd.s32 $0x80, s27;
	s29 =	sand.u32 $0x300, s28;
	v7 =	vld [tilespmem:s25+$0xFFFFFFC0];
	[tilespmem:s26+$0xFFFFFC60] =	vst v9;
	s25 =	sadd.s32 $0x80, s25  }
0x4d: {  	[tilespmem:s26+$0x0] =	vst v6  }
0x4e: {  	[tilespmem:s26+$0x10] =	vst v5  }
0x4f: {  	v49 =	vld [tilespmem:s25+$0x430];
	[tilespmem:s26+$0x20] =	vst v3  }
0x50: {  	v50 =	vld [tilespmem:s25+$0xFFFFFFD0];
	[tilespmem:s26+$0x30] =	vst v4  }
0x51: {  	v51 =	vld [tilespmem:s25+$0xFFFFFFE0];
	[tilespmem:s26+$0x40] =	vst v1  }
0x52: {  	v52 =	vld [tilespmem:s25+$0xFFFFFFF0];
	[tilespmem:s26+$0x50] =	vst v2  }
0x53: {  	s31 =	sadd.s32 $0x800, s26;
	v53 =	vld [tilespmem:s25+$0x0];
	[tilespmem:s26+$0xFFFFFBF0] =	vst v7  }
0x54: {  	v54 =	vld [tilespmem:s25+$0x10];
	[tilespmem:s31+$0x60] =	vst v49  }
0x55: {  	v55 =	vld [tilespmem:s25+$0x20];
	[tilespmem:s31+$0xFFFFFC00] =	vst v50  }
0x56: {  	v56 =	vld [tilespmem:s25+$0x30];
	[tilespmem:s31+$0xFFFFFC10] =	vst v51  }
0x57: {  	v57 =	vld [tilespmem:s25+$0x3D0];
	[tilespmem:s31+$0xFFFFFC20] =	vst v52  }
0x58: {  	v58 =	vld [tilespmem:s25+$0x3E0];
	[tilespmem:s31+$0xFFFFFC30] =	vst v53  }
0x59: {  	v59 =	vld [tilespmem:s25+$0x3F0];
	[tilespmem:s31+$0xFFFFFC40] =	vst v54  }
0x5a: {  	v60 =	vld [tilespmem:s25+$0x400];
	[tilespmem:s31+$0xFFFFFC50] =	vst v55  }
0x5b: {  	v61 =	vld [tilespmem:s25+$0xFFFFFFC0];
	[tilespmem:s31+$0xFFFFFC60] =	vst v56  }
0x5c: {  	s27 =	sand.u32 $0x80, s28;
	s30 =	sadd.s32 s29, s19;
	v62 =	vld [tilespmem:s25+$0x410];
	[tilespmem:s31+$0x0] =	vst v57  }
0x5d: {  	v63 =	vld [tilespmem:s25+$0x420];
	s23 =	sadd.s32 $0x1, s23;
	s27 =	sadd.s32 s27, s30;
	[tilespmem:s31+$0x10] =	vst v58  }
0x5e: {  	p2 =	sne.s32 s23, $0x8;
	v0 =	vld.idx.msk [tilespmem:v0+s27+$0x400 ss:$0x1], $0xffff;
	[tilespmem:s31+$0x20] =	vst v59  }
.Ltmp4:
0x5f: {  	[tilespmem:s31+$0x30] =	vst v60;
	(pc) =	sbr.rel @p2 .LBB1_3-.Ltmp4, $4  }
0x60: {  	[tilespmem:s31+$0xFFFFFBF0] =	vst v61  }
0x61: {  	[tilespmem:s31+$0x40] =	vst v62  }
0x62: {  	s24 =	sadd.s32 $0x800, s24;
	s17 =	sadd.s32 $0x800, s17;
	[tilespmem:s31+$0x50] =	vst v63  }
0x63: {  	s22 =	sadd.s32 $0x80, s22;
	p1 =	por !p1, !p1;
	s18 =	sadd.s32 $0x80, s18;
	[tilespmem:s24+$0x0] =	vst v0  }
0x64: {  	s15 =	sshll.u32 s15, $0x7;
	s17 =	sand.u32 $0x78, s12  }
0x65: {  	s14 =	sshll.u32 s14, $0xE;
	s13 =	sshll.u32 s13, $0xA;
	s29 =	sand.u32 $0x380, s12  }
.Ltmp5:
0x66: {  	s15 =	sand.u32 $0x380, s15;
	s14 =	sadd.s32 s3, s14;
	(pc) =	sbr.rel .LBB1_7-.Ltmp5, $4  }
0x67: {  	s30 =	sand.u32 $0x7, s12;
	s15 =	sor.u32 s15, s17;
	s13 =	sadd.s32 s13, s14  }
0x68: {  	s12 =	sshll.u32 s30, $0x12;
	s31 =	sshrl.u32 s15, $0x3;
	s13 =	sadd.s32 s29, s13  }
0x69: {  	s12 =	sor.u32 $0x800, s12;
	s13 =	sadd.s32 s31, s13  }
0x6a: {  	[hbm4b:s13+s12] =	stream.strided.scatter [tilespmem:s16], [sflag:$0x2], $0x4000, s6, s12, $0x38;
	[tilespmem:$0x10000] =	vst v63  }
.LBB1_8:
0x6b: {  	_ =	sfence.sel $0x180000  }
0x6c: {  	s2 =	simm.s32 $0x1;
	[bflag:$0x0] =	sbarrier.arrive $0xFFFF  }
0x6d: {  	s31 =	simm.s32 $0x2;
	[sflag:s2] =	ssyncpa.u1 $0x1  }
0x6e: {  	[sflag:s31] =	ssyncpa.u1 $0x1  }
0x6f: {  	p0 =	sne.s32 s1, $0x0;
	_ =	strace $0x90000047  }
0x70: {  	s0 =	sadd.s32 @!p0 $0x100000, s0;
	[bflag:$0x2] =	sbarrier.arrive $0xFFFF  }
0x71: {  	[sflag:s0] =	ssyncadd.tile.s32 @!p0 $0x1;
	_ =	shalt  }
.Lfunc_end1:
_tile_overlayer_lowered:
.L_overlay_start_2:
0x72: {  	(tag) =	ssettag $0x2  }
0x73: {  	s0 =	rddreg [dreg:$0x0];
	s2 =	stileid.u32  }
0x74: {  	s1 =	rddreg [dreg:$0x1];
	p0 =	sne.s32 s2, $0x0  }
0x75: {  	s3 =	rddreg [dreg:$0x2];
	[bflag:$0x3] =	sbarrier.arrive $0xFFFF;
	s2 =	simm.s32 @!p0 $0x1C01  }
0x76: {  	[timem:s3], [sflag:s2] =	dma.local @!p0 [hbm:s0], s1  }
0x77: {  	s0 =	simm.s32 @!p0 $0x1  }
0x78: {  	_ =	swait.ge @!p0 [sflag:s0], s1  }
0x79: {  	s1 =	ssub.s32 @!p0 $0x0, s1;
	[sflag:s0] =	ssyncset.done @!p0 $0x0  }
0x7a: {  	[sflag:s0] =	ssyncadd.s32 @!p0 s1  }
0x7b: {  	[bflag:$0x3] =	sbarrier.arrive $0xFFFF  }
0x7c: {  	_ =	shalt  }

</sc_bundles>
